<compile_context>
chip_gen: v7x
topology: tpu7x:2x2x1
jax: 0.10.2.dev20260603
libtpu: 0.0.44.dev20260713+nightly
codegen_flags: <defaults>
</compile_context>

<pallas_src>
import functools

import jax
import jax.numpy as jnp
from jax import lax
from jax.experimental import pallas as pl
from jax.experimental.pallas import tpu as pltpu
from jax.experimental.pallas import tpu_sc as plsc

M, B, D = 100000, 1024, 128
BLK = 2000
NBLK = M // BLK
MASK_ROWS = 800
NEG = -1e30
EPS = 1e-8


def _max_argmax_lanes(x):
    v = jnp.max(x, axis=1, keepdims=True)
    col = lax.broadcasted_iota(jnp.int32, x.shape, 1).astype(jnp.float32)
    cand = jnp.where(x == v, col, 0.0)
    return v, jnp.sum(cand, axis=1, keepdims=True).astype(jnp.int32)


def _k1_body(val_ref, we_ref, be_ref, q_ref, idxc_ref, idxr_ref,
             qn_ref, enc_ref, ebv_ref, ebb_ref):
    val = val_ref[...]
    enc = jnp.dot(val, we_ref[...], preferred_element_type=jnp.float32)
    enc = enc + be_ref[...]
    enc_ref[...] = enc

    q = q_ref[...]
    qn = q * (1.0 / (jnp.sqrt(jnp.sum(q * q, axis=1, keepdims=True)) + EPS))
    qn_ref[...] = qn
    en = enc * (1.0 / (jnp.sqrt(jnp.sum(enc * enc, axis=1, keepdims=True))
                       + EPS))

    sims = lax.dot_general(qn.astype(jnp.bfloat16), en.astype(jnp.bfloat16),
                           (((1,), (1,)), ((), ())),
                           preferred_element_type=jnp.float32)

    idxc = idxc_ref[...]
    idxr = idxr_ref[...]
    eq = (idxc == idxr)
    ii = lax.broadcasted_iota(jnp.int32, (B, B), 0)
    jj = lax.broadcasted_iota(jnp.int32, (B, B), 1)
    dup_later = jnp.any(eq & (ii > jj), axis=0, keepdims=True)
    scores = jnp.where(dup_later, NEG, sims)
    ebv_ref[...] = jnp.max(scores, axis=1, keepdims=True)
    ebb_ref[...] = jnp.argmax(scores, axis=1).astype(jnp.int32)[:, None]


_k1 = pl.pallas_call(
    _k1_body,
    out_shape=[
        jax.ShapeDtypeStruct((B, D), jnp.float32),
        jax.ShapeDtypeStruct((B, D), jnp.float32),
        jax.ShapeDtypeStruct((B, 1), jnp.float32),
        jax.ShapeDtypeStruct((B, 1), jnp.int32),
    ],
)


_NW = 32

_sc_mesh = plsc.VectorSubcoreMesh(core_axis_name="c", subcore_axis_name="s")


def _k2_body(idx_ref, zero_ref, out_ref):
    del zero_ref

    def loop(b, _):
        p = idx_ref[b]
        r = p // 128
        c = p % 128
        row = (lax.broadcasted_iota(jnp.int32, (1, 128), 1) == c)
        cur = out_ref[pl.ds(r, 1), :]
        out_ref[pl.ds(r, 1), :] = jnp.where(row, jnp.float32(NEG), cur)
        return 0

    lax.fori_loop(0, B, loop, 0)


_k2 = pl.pallas_call(
    _k2_body,
    in_specs=[
        pl.BlockSpec(memory_space=pltpu.SMEM),
        pl.BlockSpec((MASK_ROWS, 128), lambda: (0, 0)),
    ],
    out_specs=pl.BlockSpec((MASK_ROWS, 128), lambda: (0, 0)),
    out_shape=jax.ShapeDtypeStruct((MASK_ROWS, 128), jnp.float32),
    input_output_aliases={1: 0},
)


def _k3_body(qn_ref, mem_ref, msk_ref, ebv_ref, ebb_ref,
             wv_ref, wi_ref, we_ref, bv_s, bi_s):
    i = pl.program_id(0)
    mb = mem_ref[...]
    ss = jnp.sum(mb * mb, axis=1, keepdims=True)
    rs = 1.0 / (jnp.sqrt(ss) + EPS)
    mbs = (mb * rs).astype(jnp.bfloat16)
    sims = lax.dot_general(qn_ref[...].astype(jnp.bfloat16), mbs,
                           (((1,), (1,)), ((), ())),
                           preferred_element_type=jnp.float32)
    sims = sims + msk_ref[0]
    bv, bloc = _max_argmax_lanes(sims)
    bi = bloc + i * BLK

    @pl.when(i == 0)
    def _():
        bv_s[...] = bv
        bi_s[...] = bi

    @pl.when(i > 0)
    def _():
        upd = bv > bv_s[...]
        bv_s[...] = jnp.where(upd, bv, bv_s[...])
        bi_s[...] = jnp.where(upd, bi, bi_s[...])

    @pl.when(i == NBLK - 1)
    def _():
        is_enc = ebv_ref[...] > bv_s[...]
        wv_ref[...] = jnp.where(is_enc, ebv_ref[...], bv_s[...])
        wi_ref[...] = jnp.where(is_enc, 0, bi_s[...])
        we_ref[...] = is_enc.astype(jnp.int32)


_k3 = pl.pallas_call(
    _k3_body,
    grid=(NBLK,),
    in_specs=[
        pl.BlockSpec((B, D), lambda i: (0, 0)),
        pl.BlockSpec((BLK, D), lambda i: (i, 0)),
        pl.BlockSpec((1, 1, BLK), lambda i: (i, 0, 0)),
        pl.BlockSpec((B, 1), lambda i: (0, 0)),
        pl.BlockSpec((B, 1), lambda i: (0, 0)),
    ],
    out_specs=[
        pl.BlockSpec((B, 1), lambda i: (0, 0)),
        pl.BlockSpec((B, 1), lambda i: (0, 0)),
        pl.BlockSpec((B, 1), lambda i: (0, 0)),
    ],
    out_shape=[
        jax.ShapeDtypeStruct((B, 1), jnp.float32),
        jax.ShapeDtypeStruct((B, 1), jnp.int32),
        jax.ShapeDtypeStruct((B, 1), jnp.int32),
    ],
    scratch_shapes=[
        pltpu.VMEM((B, 1), jnp.float32),
        pltpu.VMEM((B, 1), jnp.int32),
    ],
)


_RPW = B // _NW


@functools.partial(
    pl.kernel,
    out_type=jax.ShapeDtypeStruct((B, D), jnp.float32),
    mesh=_sc_mesh,
    scratch_types=[
        pltpu.VMEM((_RPW,), jnp.int32),
        pltpu.VMEM((_RPW, D), jnp.float32),
        pltpu.SemaphoreType.DMA,
    ],
)
def _k4_sc(jidx_hbm, mem_hbm, outm_hbm, ji_v, rm_v, sem_m):
    wid = lax.axis_index("s") * 2 + lax.axis_index("c")
    base = wid * _RPW
    pltpu.sync_copy(jidx_hbm.at[pl.ds(base, _RPW)], ji_v)
    pltpu.async_copy(mem_hbm.at[ji_v], rm_v, sem_m).wait()
    pltpu.sync_copy(rm_v, outm_hbm.at[pl.ds(base, _RPW)])


def _k5_body(gm_ref, enc_ref, ebb_ref, we_ref, wv_ref, wd_ref, bd_ref, o_ref):
    onehot = (lax.broadcasted_iota(jnp.int32, (B, B), 1)
              == ebb_ref[...]).astype(jnp.float32)
    ge = jnp.dot(onehot, enc_ref[...], preferred_element_type=jnp.float32)
    rows = jnp.where(we_ref[...] != 0, ge, gm_ref[...])
    dec = jnp.dot(rows, wd_ref[...], preferred_element_type=jnp.float32)
    dec = dec + bd_ref[...]
    gate = (wv_ref[...] > 0.65).astype(jnp.float32)
    o_ref[...] = dec * gate


_k5 = pl.pallas_call(
    _k5_body,
    out_shape=jax.ShapeDtypeStruct((B, D), jnp.float32),
)


def kernel(mem, idx, val, query, W_enc, b_enc, W_dec, b_dec):
    idx = idx.astype(jnp.int32)
    qn, enc, ebv, ebb = _k1(val, W_enc, b_enc.reshape(1, D), query,
                            idx.reshape(B, 1), idx.reshape(1, B))
    mask2d = _k2(idx, jnp.zeros((MASK_ROWS, 128), jnp.float32))
    mask3d = mask2d.reshape(-1)[:M].reshape(NBLK, 1, BLK)
    win_val, win_mem_idx, win_is_enc = _k3(qn, mem, mask3d, ebv, ebb)
    g_mem = _k4_sc(win_mem_idx.reshape(B), mem)
    return _k5(g_mem, enc, ebb, win_is_enc, win_val, W_dec,
               b_dec.reshape(1, D))

# --- scband reference (transcript-rebuilt; emitter-appended) ---
"""Pipeline reference for scband-biological-memory-55499567398930 (READ-ONLY COPY).

The authoritative reference and input builder live on the scoring server;
editing this copy changes nothing except your own understanding.
"""

import jax, jax.numpy as jnp
import numpy as np

M, B, D = 100000, 1024, 128

def setup_inputs(seed: int = 0) -> dict:
    key = jax.random.key(seed)
    ks = jax.random.split(key, 8)
    mem = jax.random.normal(ks[0], (M, D), dtype=jnp.float32)
    idx = jax.random.randint(ks[1], (B,), 0, M, dtype=jnp.int64) if jax.config.jax_enable_x64 else jax.random.randint(ks[1], (B,), 0, M)
    val = jax.random.normal(ks[2], (B, D), dtype=jnp.float32)
    query = jax.random.normal(ks[3], (B, D), dtype=jnp.float32)
    lim = 1.0 / np.sqrt(D)
    W_enc = jax.random.uniform(ks[4], (D, D), jnp.float32, -lim, lim)
    b_enc = jax.random.uniform(ks[5], (D,), jnp.float32, -lim, lim)
    W_dec = jax.random.uniform(ks[6], (D, D), jnp.float32, -lim, lim)
    b_dec = jax.random.uniform(ks[7], (D,), jnp.float32, -lim, lim)
    return {"mem": mem, "idx": idx, "val": val, "query": query,
            "W_enc": W_enc, "b_enc": b_enc, "W_dec": W_dec, "b_dec": b_dec}

def reference(mem, idx, val, query, W_enc, b_enc, W_dec, b_dec):
    # store(): encoder(state) written into the episodic memory bank (scatter-overwrite)
    enc = val @ W_enc + b_enc
    mem2 = mem.at[idx].set(enc)
    # recall(): cosine similarity of query against all stored memories
    qn = query / (jnp.linalg.norm(query, axis=-1, keepdims=True) + 1e-8)
    mn = mem2 / (jnp.linalg.norm(mem2, axis=-1, keepdims=True) + 1e-8)
    sims = qn @ mn.T  # [B, M]
    best = jnp.argmax(sims, axis=-1)  # [B]
    best_sim = jnp.take_along_axis(sims, best[:, None], axis=1)[:, 0]
    gathered = jnp.take(mem2, best, axis=0)  # gather best memory per query
    dec = gathered @ W_dec + b_dec  # decoder(best.embedding)
    gate = (best_sim > 0.65).astype(jnp.float32)[:, None]  # sim > 0.65 threshold (else None -> zeros)
    return dec * gate

if __name__ == "__main__":
    import jax
    _d = setup_inputs()
    print(jax.jit(kernel)(*tuple(_d.values())))

</pallas_src>

<mosaic_0001>
#map = affine_map<(d0, d1) -> (0)>
#map1 = affine_map<(d0, d1) -> (0, 0)>
module attributes {stable_mosaic.version = 14 : i64} {
  func.func @_k4_sc(%arg0: i32, %arg1: i32, %arg2: memref<1024xi32, #tpu.memory_space<hbm>>, %arg3: memref<100000x128xf32, #tpu.memory_space<hbm>>, %arg4: memref<1024x128xf32, #tpu.memory_space<hbm>>, %arg5: memref<32xi32, #tpu.memory_space<vmem>>, %arg6: memref<32x128xf32, #tpu.memory_space<vmem>>, %arg7: memref<!tpu.dma_semaphore, #tpu.memory_space<semaphore_mem>>) attributes {dimension_semantics = [#tpu.dimension_semantics<core_parallel>, #tpu.dimension_semantics<subcore_parallel>], iteration_bounds = array<i64: 2, 16>, scalar_prefetch = 0 : i64, scratch_operands = 3 : i64, tpu.core_type = #tpu.core_type<sc_vector_subcore>, window_params = [{transform_indices = #map}, {transform_indices = #map1}, {transform_indices = #map1}]} {
    %mul3A = arith.constant 2 : i32
    %mul3A_0 = arith.muli %arg1, %mul3A : i32
    %add3A = arith.addi %mul3A_0, %arg0 : i32
    %mul3A_1 = arith.constant 32 : i32
    %mul3A_2 = arith.muli %add3A, %mul3A_1 : i32
    "tpu.region"() ({
      %run_scoped3A = tpu.sem_alloc : memref<!tpu.dma_semaphore, #tpu.memory_space<semaphore_mem>>
      %dma_start3A_7 = tpu.memref_slice %arg2[%mul3A_2] : memref<1024xi32, #tpu.memory_space<hbm>> -> memref<32xi32, #tpu.memory_space<hbm>>
      %dma_start3A_8 = tpu.memref_slice %arg2[%mul3A_2] : memref<1024xi32, #tpu.memory_space<hbm>> -> memref<32xi32, #tpu.memory_space<hbm>>
      tpu.enqueue_dma source(%dma_start3A_8 : memref<32xi32, #tpu.memory_space<hbm>>) target(%arg5 : memref<32xi32, #tpu.memory_space<vmem>>) target_semaphore(%run_scoped3A : memref<!tpu.dma_semaphore, #tpu.memory_space<semaphore_mem>>)
      %dma_wait3A_9 = tpu.memref_slice %arg2[%mul3A_2] : memref<1024xi32, #tpu.memory_space<hbm>> -> memref<32xi32, #tpu.memory_space<hbm>>
      %dma_wait3A_10 = tpu.memref_slice %arg2[%mul3A_2] : memref<1024xi32, #tpu.memory_space<hbm>> -> memref<32xi32, #tpu.memory_space<hbm>>
      tpu.wait_dma2 semaphore(%run_scoped3A : memref<!tpu.dma_semaphore, #tpu.memory_space<semaphore_mem>>) src(%dma_wait3A_10 : memref<32xi32, #tpu.memory_space<hbm>>) dst(%arg5 : memref<32xi32, #tpu.memory_space<vmem>>)
      tpu.yield
    }) : () -> ()
    %dma_start3A = arith.constant 0 : i32
    %dma_start3A_3 = arith.constant 0 : i32
    %dma_start3A_4 = tpu.memref_slice %arg3[%dma_start3A, %dma_start3A_3] : memref<100000x128xf32, #tpu.memory_space<hbm>> -> memref<100000x128xf32, #tpu.memory_space<hbm>>
    tpu.enqueue_indirect_dma source(%dma_start3A_4 : memref<100000x128xf32, #tpu.memory_space<hbm>>) target(%arg6 : memref<32x128xf32, #tpu.memory_space<vmem>>) offsets(%arg5 : memref<32xi32, #tpu.memory_space<vmem>>) semaphore(%arg7 : memref<!tpu.dma_semaphore, #tpu.memory_space<semaphore_mem>>)
    %dma_wait3A = arith.constant 0 : i32
    %dma_wait3A_5 = arith.constant 0 : i32
    %dma_wait3A_6 = tpu.memref_slice %arg3[%dma_wait3A, %dma_wait3A_5] : memref<100000x128xf32, #tpu.memory_space<hbm>> -> memref<100000x128xf32, #tpu.memory_space<hbm>>
    tpu.wait_indirect_dma semaphore(%arg7 : memref<!tpu.dma_semaphore, #tpu.memory_space<semaphore_mem>>) src(%dma_wait3A_6 : memref<100000x128xf32, #tpu.memory_space<hbm>>) dst(%arg6 : memref<32x128xf32, #tpu.memory_space<vmem>>)
    "tpu.region"() ({
      %run_scoped3A = tpu.sem_alloc : memref<!tpu.dma_semaphore, #tpu.memory_space<semaphore_mem>>
      %dma_start3A_7 = arith.constant 0 : i32
      %dma_start3A_8 = tpu.memref_slice %arg4[%mul3A_2, %dma_start3A_7] : memref<1024x128xf32, #tpu.memory_space<hbm>> -> memref<32x128xf32, #tpu.memory_space<hbm>>
      %dma_start3A_9 = arith.constant 0 : i32
      %dma_start3A_10 = tpu.memref_slice %arg4[%mul3A_2, %dma_start3A_9] : memref<1024x128xf32, #tpu.memory_space<hbm>> -> memref<32x128xf32, #tpu.memory_space<hbm>>
      tpu.enqueue_dma source(%arg6 : memref<32x128xf32, #tpu.memory_space<vmem>>) target(%dma_start3A_10 : memref<32x128xf32, #tpu.memory_space<hbm>>) target_semaphore(%run_scoped3A : memref<!tpu.dma_semaphore, #tpu.memory_space<semaphore_mem>>)
      %dma_wait3A_11 = arith.constant 0 : i32
      %dma_wait3A_12 = tpu.memref_slice %arg4[%mul3A_2, %dma_wait3A_11] : memref<1024x128xf32, #tpu.memory_space<hbm>> -> memref<32x128xf32, #tpu.memory_space<hbm>>
      %dma_wait3A_13 = arith.constant 0 : i32
      %dma_wait3A_14 = tpu.memref_slice %arg4[%mul3A_2, %dma_wait3A_13] : memref<1024x128xf32, #tpu.memory_space<hbm>> -> memref<32x128xf32, #tpu.memory_space<hbm>>
      tpu.wait_dma2 semaphore(%run_scoped3A : memref<!tpu.dma_semaphore, #tpu.memory_space<semaphore_mem>>) src(%arg6 : memref<32x128xf32, #tpu.memory_space<vmem>>) dst(%dma_wait3A_14 : memref<32x128xf32, #tpu.memory_space<hbm>>)
      tpu.yield
    }) : () -> ()
    return
  }
}

module attributes {stable_mosaic.version = 14 : i64} {
  func.func @_k2_body(%arg0: memref<1024xi32, #tpu.memory_space<smem>>, %arg1: memref<800x128xf32, #tpu.memory_space<vmem>>, %arg2: memref<800x128xf32, #tpu.memory_space<vmem>>) attributes {dimension_semantics = [], scalar_prefetch = 0 : i64, scratch_operands = 0 : i64, tpu.core_type = #tpu.core_type<tc>} {
    %scan3A = arith.constant 0 : i32
    %scan3A_0 = arith.constant 1024 : i32
    %scan3A_1 = arith.addi %scan3A, %scan3A_0 : i32
    %scan3A_2 = arith.constant 1 : i32
    scf.for %scan3A_4 = %scan3A to %scan3A_1 step %scan3A_2  : i32 {
      %get3A = arith.index_cast %scan3A_4 : i32 to index
      %get3A_5 = memref.load %arg0[%get3A] : memref<1024xi32, #tpu.memory_space<smem>>
      %jit3A = arith.constant 128 : i32
      %div3A = arith.divsi %get3A_5, %jit3A : i32
      %sign3A = arith.constant 0 : i32
      %sign3A_6 = arith.cmpi sgt, %get3A_5, %sign3A : i32
      %sign3A_7 = arith.extui %sign3A_6 : i1 to i32
      %sign3A_8 = arith.constant 0 : i32
      %sign3A_9 = arith.cmpi slt, %get3A_5, %sign3A_8 : i32
      %sign3A_10 = arith.extui %sign3A_9 : i1 to i32
      %sign3A_11 = arith.subi %sign3A_7, %sign3A_10 : i32
      %sign3A_12 = arith.constant 0 : i32
      %sign3A_13 = arith.cmpi sgt, %jit3A, %sign3A_12 : i32
      %sign3A_14 = arith.extui %sign3A_13 : i1 to i32
      %sign3A_15 = arith.constant 0 : i32
      %sign3A_16 = arith.cmpi slt, %jit3A, %sign3A_15 : i32
      %sign3A_17 = arith.extui %sign3A_16 : i1 to i32
      %sign3A_18 = arith.subi %sign3A_14, %sign3A_17 : i32
      %ne3A = arith.cmpi ne, %sign3A_11, %sign3A_18 : i32
      %rem3A = arith.remsi %get3A_5, %jit3A : i32
      %ne3A_19 = arith.constant 0 : i32
      %ne3A_20 = arith.cmpi ne, %rem3A, %ne3A_19 : i32
      %and3A = arith.andi %ne3A, %ne3A_20 : i1
      %sub3A = arith.constant 1 : i32
      %sub3A_21 = arith.subi %div3A, %sub3A : i32
      %select_n3A = arith.select %and3A, %sub3A_21, %div3A : i32
      %jit3A_22 = arith.constant 128 : i32
      %eq3A = arith.constant 0 : i32
      %eq3A_23 = arith.cmpi eq, %jit3A_22, %eq3A : i32
      %jit3A_24 = arith.constant 1 : i32
      %select_n3A_25 = arith.select %eq3A_23, %jit3A_24, %jit3A_22 : i32
      %rem3A_26 = arith.remsi %get3A_5, %select_n3A_25 : i32
      %ne3A_27 = arith.constant 0 : i32
      %ne3A_28 = arith.cmpi ne, %rem3A_26, %ne3A_27 : i32
      %lt3A = arith.constant 0 : i32
      %lt3A_29 = arith.cmpi slt, %rem3A_26, %lt3A : i32
      %lt3A_30 = arith.constant 0 : i32
      %lt3A_31 = arith.cmpi slt, %select_n3A_25, %lt3A_30 : i32
      %ne3A_32 = arith.xori %lt3A_29, %lt3A_31 : i1
      %and3A_33 = arith.andi %ne3A_32, %ne3A_28 : i1
      %add3A = arith.addi %rem3A_26, %select_n3A_25 : i32
      %select_n3A_34 = arith.select %and3A_33, %add3A, %rem3A_26 : i32
      %iota3A = tpu.iota {dimensions = array<i32: 1>} : vector<1x128xi32>
      %eq3A_35 = vector.broadcast %select_n3A_34 : i32 to vector<1x128xi32>
      %eq3A_36 = arith.cmpi eq, %iota3A, %eq3A_35 : vector<1x128xi32>
      %get3A_37 = arith.index_cast %select_n3A : i32 to index
      %get3A_38 = arith.constant 0 : index
      %get3A_39 = vector.load %arg2[%get3A_37, %get3A_38] : memref<800x128xf32, #tpu.memory_space<vmem>>, vector<1x128xf32>
      %jit3A_40 = arith.constant -1.000000e+30 : f32
      %broadcast_in_dim3A = vector.broadcast %jit3A_40 : f32 to vector<1x128xf32>
      %select_n3A_41 = arith.select %eq3A_36, %broadcast_in_dim3A, %get3A_39 : vector<1x128xi1>, vector<1x128xf32>
      %swap3A = arith.index_cast %select_n3A : i32 to index
      %swap3A_42 = arith.constant 0 : index
      %swap3A_43 = vector.load %arg2[%swap3A, %swap3A_42] : memref<800x128xf32, #tpu.memory_space<vmem>>, vector<1x128xf32>
      tpu.vector_store %arg2[%swap3A, %swap3A_42], %select_n3A_41 {strides = array<i32>} : memref<800x128xf32, #tpu.memory_space<vmem>>, vector<1x128xf32>,
    }
    %scan3A_3 = arith.constant 1024 : i32
    return
  }
}

module attributes {stable_mosaic.version = 14 : i64} {
  func.func @_k1_body(%arg0: memref<1024x128xf32, #tpu.memory_space<vmem>>, %arg1: memref<128x128xf32, #tpu.memory_space<vmem>>, %arg2: memref<1x128xf32, #tpu.memory_space<vmem>>, %arg3: memref<1024x128xf32, #tpu.memory_space<vmem>>, %arg4: memref<1024x1xi32, #tpu.memory_space<vmem>>, %arg5: memref<1x1024xi32, #tpu.memory_space<vmem>>, %arg6: memref<1024x128xf32, #tpu.memory_space<vmem>>, %arg7: memref<1024x128xf32, #tpu.memory_space<vmem>>, %arg8: memref<1024x1xf32, #tpu.memory_space<vmem>>, %arg9: memref<1024x1xi32, #tpu.memory_space<vmem>>) attributes {dimension_semantics = [], scalar_prefetch = 0 : i64, scratch_operands = 0 : i64, tpu.core_type = #tpu.core_type<tc>} {
    %get3A = arith.constant 0 : index
    %get3A_0 = arith.constant 0 : index
    %get3A_1 = vector.load %arg0[%get3A, %get3A_0] : memref<1024x128xf32, #tpu.memory_space<vmem>>, vector<1024x128xf32>
    %get3A_2 = arith.constant 0 : index
    %get3A_3 = arith.constant 0 : index
    %get3A_4 = vector.load %arg1[%get3A_2, %get3A_3] : memref<128x128xf32, #tpu.memory_space<vmem>>, vector<128x128xf32>
    %dot_general3A = arith.constant dense<0.000000e+00> : vector<1024x128xf32>
    %dot_general3A_5 = tpu.matmul %get3A_1, %get3A_4, %dot_general3A {dimension_numbers = #tpu.dot_dimension_numbers<[1], [0], [0], [1], [0, 0, 1, 1], [], []>, transpose_lhs_hint = false} : vector<1024x128xf32>, vector<128x128xf32>, vector<1024x128xf32> -> vector<1024x128xf32>
    %get3A_6 = arith.constant 0 : index
    %get3A_7 = arith.constant 0 : index
    %get3A_8 = vector.load %arg2[%get3A_6, %get3A_7] : memref<1x128xf32, #tpu.memory_space<vmem>>, vector<1x128xf32>
    %add3A = vector.broadcast %get3A_8 : vector<1x128xf32> to vector<1024x128xf32>
    %add3A_9 = arith.addf %dot_general3A_5, %add3A : vector<1024x128xf32>
    %swap3A = arith.constant 0 : index
    %swap3A_10 = arith.constant 0 : index
    %swap3A_11 = vector.load %arg7[%swap3A, %swap3A_10] : memref<1024x128xf32, #tpu.memory_space<vmem>>, vector<1024x128xf32>
    tpu.vector_store %arg7[%swap3A, %swap3A_10], %add3A_9 {strides = array<i32>} : memref<1024x128xf32, #tpu.memory_space<vmem>>, vector<1024x128xf32>,
    %get3A_12 = arith.constant 0 : index
    %get3A_13 = arith.constant 0 : index
    %get3A_14 = vector.load %arg3[%get3A_12, %get3A_13] : memref<1024x128xf32, #tpu.memory_space<vmem>>, vector<1024x128xf32>
    %mul3A = arith.mulf %get3A_14, %get3A_14 : vector<1024x128xf32>
    %reduce_sum3A = arith.constant dense<0.000000e+00> : vector<1024xf32>
    %reduce_sum3A_15 = vector.multi_reduction <add>, %mul3A, %reduce_sum3A [1] : vector<1024x128xf32> to vector<1024xf32>
    %broadcast_in_dim3A = vector.shape_cast %reduce_sum3A_15 : vector<1024xf32> to vector<1024x1xf32>
    %sqrt3A = math.sqrt %broadcast_in_dim3A : vector<1024x1xf32>
    %add3A_16 = arith.constant 9.99999993E-9 : f32
    %add3A_17 = vector.broadcast %add3A_16 : f32 to vector<1024x1xf32>
    %add3A_18 = arith.addf %sqrt3A, %add3A_17 : vector<1024x1xf32>
    %div3A = arith.constant 1.000000e+00 : f32
    %div3A_19 = vector.broadcast %div3A : f32 to vector<1024x1xf32>
    %div3A_20 = arith.divf %div3A_19, %add3A_18 : vector<1024x1xf32>
    %mul3A_21 = vector.broadcast %div3A_20 : vector<1024x1xf32> to vector<1024x128xf32>
    %mul3A_22 = arith.mulf %get3A_14, %mul3A_21 : vector<1024x128xf32>
    %swap3A_23 = arith.constant 0 : index
    %swap3A_24 = arith.constant 0 : index
    %swap3A_25 = vector.load %arg6[%swap3A_23, %swap3A_24] : memref<1024x128xf32, #tpu.memory_space<vmem>>, vector<1024x128xf32>
    tpu.vector_store %arg6[%swap3A_23, %swap3A_24], %mul3A_22 {strides = array<i32>} : memref<1024x128xf32, #tpu.memory_space<vmem>>, vector<1024x128xf32>,
    %mul3A_26 = arith.mulf %add3A_9, %add3A_9 : vector<1024x128xf32>
    %reduce_sum3A_27 = arith.constant dense<0.000000e+00> : vector<1024xf32>
    %reduce_sum3A_28 = vector.multi_reduction <add>, %mul3A_26, %reduce_sum3A_27 [1] : vector<1024x128xf32> to vector<1024xf32>
    %broadcast_in_dim3A_29 = vector.shape_cast %reduce_sum3A_28 : vector<1024xf32> to vector<1024x1xf32>
    %sqrt3A_30 = math.sqrt %broadcast_in_dim3A_29 : vector<1024x1xf32>
    %add3A_31 = arith.constant 9.99999993E-9 : f32
    %add3A_32 = vector.broadcast %add3A_31 : f32 to vector<1024x1xf32>
    %add3A_33 = arith.addf %sqrt3A_30, %add3A_32 : vector<1024x1xf32>
    %div3A_34 = arith.constant 1.000000e+00 : f32
    %div3A_35 = vector.broadcast %div3A_34 : f32 to vector<1024x1xf32>
    %div3A_36 = arith.divf %div3A_35, %add3A_33 : vector<1024x1xf32>
    %mul3A_37 = vector.broadcast %div3A_36 : vector<1024x1xf32> to vector<1024x128xf32>
    %mul3A_38 = arith.mulf %add3A_9, %mul3A_37 : vector<1024x128xf32>
    %convert_element_type3A = arith.truncf %mul3A_22 : vector<1024x128xf32> to vector<1024x128xbf16>
    %convert_element_type3A_39 = arith.truncf %mul3A_38 : vector<1024x128xf32> to vector<1024x128xbf16>
    %dot_general3A_40 = arith.constant dense<0.000000e+00> : vector<1024x1024xf32>
    %dot_general3A_41 = tpu.matmul %convert_element_type3A, %convert_element_type3A_39, %dot_general3A_40 {dimension_numbers = #tpu.dot_dimension_numbers<[1], [1], [0], [0], [0, 0, 1, 0], [], []>, transpose_lhs_hint = false} : vector<1024x128xbf16>, vector<1024x128xbf16>, vector<1024x1024xf32> -> vector<1024x1024xf32>
    %get3A_42 = arith.constant 0 : index
    %get3A_43 = arith.constant 0 : index
    %get3A_44 = vector.load %arg4[%get3A_42, %get3A_43] : memref<1024x1xi32, #tpu.memory_space<vmem>>, vector<1024x1xi32>
    %get3A_45 = arith.constant 0 : index
    %get3A_46 = arith.constant 0 : index
    %get3A_47 = vector.load %arg5[%get3A_45, %get3A_46] : memref<1x1024xi32, #tpu.memory_space<vmem>>, vector<1x1024xi32>
    %eq3A = vector.broadcast %get3A_44 : vector<1024x1xi32> to vector<1024x1024xi32>
    %eq3A_48 = vector.broadcast %get3A_47 : vector<1x1024xi32> to vector<1024x1024xi32>
    %eq3A_49 = arith.cmpi eq, %eq3A, %eq3A_48 : vector<1024x1024xi32>
    %iota3A = tpu.iota {dimensions = array<i32: 0>} : vector<1024x1024xi32>
    %iota3A_50 = tpu.iota {dimensions = array<i32: 1>} : vector<1024x1024xi32>
    %gt3A = arith.cmpi sgt, %iota3A, %iota3A_50 : vector<1024x1024xi32>
    %and3A = arith.andi %eq3A_49, %gt3A : vector<1024x1024xi1>
    %reduce_or3A = arith.constant 1.000000e+00 : f32
    %reduce_or3A_51 = arith.constant 0.000000e+00 : f32
    %reduce_or3A_52 = vector.broadcast %reduce_or3A : f32 to vector<1024x1024xf32>
    %reduce_or3A_53 = vector.broadcast %reduce_or3A_51 : f32 to vector<1024x1024xf32>
    %reduce_or3A_54 = arith.select %and3A, %reduce_or3A_52, %reduce_or3A_53 : vector<1024x1024xi1>, vector<1024x1024xf32>
    %reduce_or3A_55 = arith.constant dense<0xFF800000> : vector<1024xf32>
    %reduce_or3A_56 = vector.multi_reduction <maximumf>, %reduce_or3A_54, %reduce_or3A_55 [0] : vector<1024x1024xf32> to vector<1024xf32>
    %reduce_or3A_57 = arith.constant 0.000000e+00 : f32
    %reduce_or3A_58 = vector.broadcast %reduce_or3A_57 : f32 to vector<1024xf32>
    %reduce_or3A_59 = arith.cmpf ogt, %reduce_or3A_56, %reduce_or3A_58 : vector<1024xf32>
    %broadcast_in_dim3A_60 = vector.shape_cast %reduce_or3A_59 : vector<1024xi1> to vector<1x1024xi1>
    %jit3A = arith.constant -1.000000e+30 : f32
    %broadcast_in_dim3A_61 = vector.shape_cast %broadcast_in_dim3A_60 : vector<1x1024xi1> to vector<1x1024xi1>
    %broadcast_in_dim3A_62 = vector.broadcast %broadcast_in_dim3A_61 : vector<1x1024xi1> to vector<1024x1024xi1>
    %broadcast_in_dim3A_63 = vector.broadcast %jit3A : f32 to vector<1024x1024xf32>
    %select_n3A = arith.select %broadcast_in_dim3A_62, %broadcast_in_dim3A_63, %dot_general3A_41 : vector<1024x1024xi1>, vector<1024x1024xf32>
    %reduce_max3A = arith.constant dense<0xFF800000> : vector<1024xf32>
    %reduce_max3A_64 = vector.multi_reduction <maximumf>, %select_n3A, %reduce_max3A [1] : vector<1024x1024xf32> to vector<1024xf32>
    %broadcast_in_dim3A_65 = vector.shape_cast %reduce_max3A_64 : vector<1024xf32> to vector<1024x1xf32>
    %swap3A_66 = arith.constant 0 : index
    %swap3A_67 = arith.constant 0 : index
    %swap3A_68 = vector.load %arg8[%swap3A_66, %swap3A_67] : memref<1024x1xf32, #tpu.memory_space<vmem>>, vector<1024x1xf32>
    tpu.vector_store %arg8[%swap3A_66, %swap3A_67], %broadcast_in_dim3A_65 {strides = array<i32>} : memref<1024x1xf32, #tpu.memory_space<vmem>>, vector<1024x1xf32>,
    %argmax3A = tpu.reduce_index %select_n3A {axis = 1 : i32, kind = #tpu.reduction_kind<arg_max>} : vector<1024x1024xf32> -> vector<1024xi32>
    %broadcast_in_dim3A_69 = vector.shape_cast %argmax3A : vector<1024xi32> to vector<1024x1xi32>
    %swap3A_70 = arith.constant 0 : index
    %swap3A_71 = arith.constant 0 : index
    %swap3A_72 = vector.load %arg9[%swap3A_70, %swap3A_71] : memref<1024x1xi32, #tpu.memory_space<vmem>>, vector<1024x1xi32>
    tpu.vector_store %arg9[%swap3A_70, %swap3A_71], %broadcast_in_dim3A_69 {strides = array<i32>} : memref<1024x1xi32, #tpu.memory_space<vmem>>, vector<1024x1xi32>,
    return
  }
}

module attributes {stable_mosaic.version = 14 : i64} {
  func.func @_k3_body(%arg0: i32, %arg1: memref<1024x128xf32, #tpu.memory_space<vmem>>, %arg2: memref<2000x128xf32, #tpu.memory_space<vmem>>, %arg3: memref<1x1x2000xf32, #tpu.memory_space<vmem>>, %arg4: memref<1024x1xf32, #tpu.memory_space<vmem>>, %arg5: memref<1024x1xi32, #tpu.memory_space<vmem>>, %arg6: memref<1024x1xf32, #tpu.memory_space<vmem>>, %arg7: memref<1024x1xi32, #tpu.memory_space<vmem>>, %arg8: memref<1024x1xi32, #tpu.memory_space<vmem>>, %arg9: memref<1024x1xf32, #tpu.memory_space<vmem>>, %arg10: memref<1024x1xi32, #tpu.memory_space<vmem>>) attributes {dimension_semantics = [#tpu.dimension_semantics<arbitrary>], iteration_bounds = array<i64: 50>, scalar_prefetch = 0 : i64, scratch_operands = 2 : i64, tpu.core_type = #tpu.core_type<tc>, window_params = [{pipeline_mode = #tpu.pipeline_mode<synchronous>, transform_indices = @transform_0, window_bounds = array<i64: 1024, 128>}, {transform_indices = @transform_1, window_bounds = array<i64: 2000, 128>}, {transform_indices = @transform_2, window_bounds = array<i64: 1, 1, 2000>}, {pipeline_mode = #tpu.pipeline_mode<synchronous>, transform_indices = @transform_3, window_bounds = array<i64: 1024, 1>}, {pipeline_mode = #tpu.pipeline_mode<synchronous>, transform_indices = @transform_4, window_bounds = array<i64: 1024, 1>}, {pipeline_mode = #tpu.pipeline_mode<synchronous>, transform_indices = @transform_5, window_bounds = array<i64: 1024, 1>}, {pipeline_mode = #tpu.pipeline_mode<synchronous>, transform_indices = @transform_6, window_bounds = array<i64: 1024, 1>}, {pipeline_mode = #tpu.pipeline_mode<synchronous>, transform_indices = @transform_7, window_bounds = array<i64: 1024, 1>}]} {
    %get3A = arith.constant 0 : index
    %get3A_0 = arith.constant 0 : index
    %get3A_1 = vector.load %arg2[%get3A, %get3A_0] : memref<2000x128xf32, #tpu.memory_space<vmem>>, vector<2000x128xf32>
    %mul3A = arith.mulf %get3A_1, %get3A_1 : vector<2000x128xf32>
    %reduce_sum3A = arith.constant dense<0.000000e+00> : vector<2000xf32>
    %reduce_sum3A_2 = vector.multi_reduction <add>, %mul3A, %reduce_sum3A [1] : vector<2000x128xf32> to vector<2000xf32>
    %broadcast_in_dim3A = vector.shape_cast %reduce_sum3A_2 : vector<2000xf32> to vector<2000x1xf32>
    %sqrt3A = math.sqrt %broadcast_in_dim3A : vector<2000x1xf32>
    %add3A = arith.constant 9.99999993E-9 : f32
    %add3A_3 = vector.broadcast %add3A : f32 to vector<2000x1xf32>
    %add3A_4 = arith.addf %sqrt3A, %add3A_3 : vector<2000x1xf32>
    %div3A = arith.constant 1.000000e+00 : f32
    %div3A_5 = vector.broadcast %div3A : f32 to vector<2000x1xf32>
    %div3A_6 = arith.divf %div3A_5, %add3A_4 : vector<2000x1xf32>
    %mul3A_7 = vector.broadcast %div3A_6 : vector<2000x1xf32> to vector<2000x128xf32>
    %mul3A_8 = arith.mulf %get3A_1, %mul3A_7 : vector<2000x128xf32>
    %convert_element_type3A = arith.truncf %mul3A_8 : vector<2000x128xf32> to vector<2000x128xbf16>
    %get3A_9 = arith.constant 0 : index
    %get3A_10 = arith.constant 0 : index
    %get3A_11 = vector.load %arg1[%get3A_9, %get3A_10] : memref<1024x128xf32, #tpu.memory_space<vmem>>, vector<1024x128xf32>
    %convert_element_type3A_12 = arith.truncf %get3A_11 : vector<1024x128xf32> to vector<1024x128xbf16>
    %dot_general3A = arith.constant dense<0.000000e+00> : vector<1024x2000xf32>
    %dot_general3A_13 = tpu.matmul %convert_element_type3A_12, %convert_element_type3A, %dot_general3A {dimension_numbers = #tpu.dot_dimension_numbers<[1], [1], [0], [0], [0, 0, 1, 0], [], []>, transpose_lhs_hint = false} : vector<1024x128xbf16>, vector<2000x128xbf16>, vector<1024x2000xf32> -> vector<1024x2000xf32>
    %get3A_14 = arith.constant 0 : index
    %get3A_15 = arith.constant 0 : index
    %get3A_16 = arith.constant 0 : index
    %get3A_17 = vector.load %arg3[%get3A_14, %get3A_15, %get3A_16] : memref<1x1x2000xf32, #tpu.memory_space<vmem>>, vector<1x1x2000xf32>
    %get3A_18 = vector.shape_cast %get3A_17 : vector<1x1x2000xf32> to vector<1x2000xf32>
    %add3A_19 = vector.broadcast %get3A_18 : vector<1x2000xf32> to vector<1024x2000xf32>
    %add3A_20 = arith.addf %dot_general3A_13, %add3A_19 : vector<1024x2000xf32>
    %reduce_max3A = arith.constant dense<0xFF800000> : vector<1024xf32>
    %reduce_max3A_21 = vector.multi_reduction <maximumf>, %add3A_20, %reduce_max3A [1] : vector<1024x2000xf32> to vector<1024xf32>
    %broadcast_in_dim3A_22 = vector.shape_cast %reduce_max3A_21 : vector<1024xf32> to vector<1024x1xf32>
    %iota3A = tpu.iota {dimensions = array<i32: 1>} : vector<1024x2000xi32>
    %convert_element_type3A_23 = arith.sitofp %iota3A : vector<1024x2000xi32> to vector<1024x2000xf32>
    %eq3A = vector.broadcast %broadcast_in_dim3A_22 : vector<1024x1xf32> to vector<1024x2000xf32>
    %eq3A_24 = arith.cmpf oeq, %add3A_20, %eq3A : vector<1024x2000xf32>
    %jit3A = arith.constant 0.000000e+00 : f32
    %broadcast_in_dim3A_25 = vector.broadcast %jit3A : f32 to vector<1024x2000xf32>
    %select_n3A = arith.select %eq3A_24, %convert_element_type3A_23, %broadcast_in_dim3A_25 : vector<1024x2000xi1>, vector<1024x2000xf32>
    %reduce_sum3A_26 = arith.constant dense<0.000000e+00> : vector<1024xf32>
    %reduce_sum3A_27 = vector.multi_reduction <add>, %select_n3A, %reduce_sum3A_26 [1] : vector<1024x2000xf32> to vector<1024xf32>
    %broadcast_in_dim3A_28 = vector.shape_cast %reduce_sum3A_27 : vector<1024xf32> to vector<1024x1xf32>
    %convert_element_type3A_29 = arith.fptosi %broadcast_in_dim3A_28 : vector<1024x1xf32> to vector<1024x1xi32>
    %mul3A_30 = arith.constant 2000 : i32
    %mul3A_31 = arith.muli %arg0, %mul3A_30 : i32
    %add3A_32 = vector.broadcast %mul3A_31 : i32 to vector<1024x1xi32>
    %add3A_33 = arith.addi %convert_element_type3A_29, %add3A_32 : vector<1024x1xi32>
    %eq3A_34 = arith.constant 0 : i32
    %eq3A_35 = arith.cmpi eq, %arg0, %eq3A_34 : i32
    %convert_element_type3A_36 = arith.extui %eq3A_35 : i1 to i32
    %cond3A = arith.constant 0 : i32
    %cond3A_37 = arith.cmpi ne, %convert_element_type3A_36, %cond3A : i32
    scf.if %cond3A_37 {
      %swap3A = arith.constant 0 : index
      %swap3A_47 = arith.constant 0 : index
      %swap3A_48 = vector.load %arg9[%swap3A, %swap3A_47] : memref<1024x1xf32, #tpu.memory_space<vmem>>, vector<1024x1xf32>
      tpu.vector_store %arg9[%swap3A, %swap3A_47], %broadcast_in_dim3A_22 {strides = array<i32>} : memref<1024x1xf32, #tpu.memory_space<vmem>>, vector<1024x1xf32>,
      %swap3A_49 = arith.constant 0 : index
      %swap3A_50 = arith.constant 0 : index
      %swap3A_51 = vector.load %arg10[%swap3A_49, %swap3A_50] : memref<1024x1xi32, #tpu.memory_space<vmem>>, vector<1024x1xi32>
      tpu.vector_store %arg10[%swap3A_49, %swap3A_50], %add3A_33 {strides = array<i32>} : memref<1024x1xi32, #tpu.memory_space<vmem>>, vector<1024x1xi32>,
    } else {
    }
    %gt3A = arith.constant 0 : i32
    %gt3A_38 = arith.cmpi sgt, %arg0, %gt3A : i32
    %convert_element_type3A_39 = arith.extui %gt3A_38 : i1 to i32
    %cond3A_40 = arith.constant 0 : i32
    %cond3A_41 = arith.cmpi ne, %convert_element_type3A_39, %cond3A_40 : i32
    scf.if %cond3A_41 {
      %get3A_47 = arith.constant 0 : index
      %get3A_48 = arith.constant 0 : index
      %get3A_49 = vector.load %arg9[%get3A_47, %get3A_48] : memref<1024x1xf32, #tpu.memory_space<vmem>>, vector<1024x1xf32>
      %gt3A_50 = arith.cmpf ogt, %broadcast_in_dim3A_22, %get3A_49 : vector<1024x1xf32>
      %get3A_51 = arith.constant 0 : index
      %get3A_52 = arith.constant 0 : index
      %get3A_53 = vector.load %arg9[%get3A_51, %get3A_52] : memref<1024x1xf32, #tpu.memory_space<vmem>>, vector<1024x1xf32>
      %select_n3A_54 = arith.select %gt3A_50, %broadcast_in_dim3A_22, %get3A_53 : vector<1024x1xi1>, vector<1024x1xf32>
      %swap3A = arith.constant 0 : index
      %swap3A_55 = arith.constant 0 : index
      %swap3A_56 = vector.load %arg9[%swap3A, %swap3A_55] : memref<1024x1xf32, #tpu.memory_space<vmem>>, vector<1024x1xf32>
      tpu.vector_store %arg9[%swap3A, %swap3A_55], %select_n3A_54 {strides = array<i32>} : memref<1024x1xf32, #tpu.memory_space<vmem>>, vector<1024x1xf32>,
      %get3A_57 = arith.constant 0 : index
      %get3A_58 = arith.constant 0 : index
      %get3A_59 = vector.load %arg10[%get3A_57, %get3A_58] : memref<1024x1xi32, #tpu.memory_space<vmem>>, vector<1024x1xi32>
      %select_n3A_60 = arith.select %gt3A_50, %add3A_33, %get3A_59 : vector<1024x1xi1>, vector<1024x1xi32>
      %swap3A_61 = arith.constant 0 : index
      %swap3A_62 = arith.constant 0 : index
      %swap3A_63 = vector.load %arg10[%swap3A_61, %swap3A_62] : memref<1024x1xi32, #tpu.memory_space<vmem>>, vector<1024x1xi32>
      tpu.vector_store %arg10[%swap3A_61, %swap3A_62], %select_n3A_60 {strides = array<i32>} : memref<1024x1xi32, #tpu.memory_space<vmem>>, vector<1024x1xi32>,
    } else {
    }
    %eq3A_42 = arith.constant 49 : i32
    %eq3A_43 = arith.cmpi eq, %arg0, %eq3A_42 : i32
    %convert_element_type3A_44 = arith.extui %eq3A_43 : i1 to i32
    %cond3A_45 = arith.constant 0 : i32
    %cond3A_46 = arith.cmpi ne, %convert_element_type3A_44, %cond3A_45 : i32
    scf.if %cond3A_46 {
      %get3A_47 = arith.constant 0 : index
      %get3A_48 = arith.constant 0 : index
      %get3A_49 = vector.load %arg4[%get3A_47, %get3A_48] : memref<1024x1xf32, #tpu.memory_space<vmem>>, vector<1024x1xf32>
      %get3A_50 = arith.constant 0 : index
      %get3A_51 = arith.constant 0 : index
      %get3A_52 = vector.load %arg9[%get3A_50, %get3A_51] : memref<1024x1xf32, #tpu.memory_space<vmem>>, vector<1024x1xf32>
      %gt3A_53 = arith.cmpf ogt, %get3A_49, %get3A_52 : vector<1024x1xf32>
      %get3A_54 = arith.constant 0 : index
      %get3A_55 = arith.constant 0 : index
      %get3A_56 = vector.load %arg4[%get3A_54, %get3A_55] : memref<1024x1xf32, #tpu.memory_space<vmem>>, vector<1024x1xf32>
      %get3A_57 = arith.constant 0 : index
      %get3A_58 = arith.constant 0 : index
      %get3A_59 = vector.load %arg9[%get3A_57, %get3A_58] : memref<1024x1xf32, #tpu.memory_space<vmem>>, vector<1024x1xf32>
      %select_n3A_60 = arith.select %gt3A_53, %get3A_56, %get3A_59 : vector<1024x1xi1>, vector<1024x1xf32>
      %swap3A = arith.constant 0 : index
      %swap3A_61 = arith.constant 0 : index
      %swap3A_62 = vector.load %arg6[%swap3A, %swap3A_61] : memref<1024x1xf32, #tpu.memory_space<vmem>>, vector<1024x1xf32>
      tpu.vector_store %arg6[%swap3A, %swap3A_61], %select_n3A_60 {strides = array<i32>} : memref<1024x1xf32, #tpu.memory_space<vmem>>, vector<1024x1xf32>,
      %get3A_63 = arith.constant 0 : index
      %get3A_64 = arith.constant 0 : index
      %get3A_65 = vector.load %arg10[%get3A_63, %get3A_64] : memref<1024x1xi32, #tpu.memory_space<vmem>>, vector<1024x1xi32>
      %jit3A_66 = arith.constant 0 : i32
      %broadcast_in_dim3A_67 = vector.broadcast %jit3A_66 : i32 to vector<1024x1xi32>
      %select_n3A_68 = arith.select %gt3A_53, %broadcast_in_dim3A_67, %get3A_65 : vector<1024x1xi1>, vector<1024x1xi32>
      %swap3A_69 = arith.constant 0 : index
      %swap3A_70 = arith.constant 0 : index
      %swap3A_71 = vector.load %arg7[%swap3A_69, %swap3A_70] : memref<1024x1xi32, #tpu.memory_space<vmem>>, vector<1024x1xi32>
      tpu.vector_store %arg7[%swap3A_69, %swap3A_70], %select_n3A_68 {strides = array<i32>} : memref<1024x1xi32, #tpu.memory_space<vmem>>, vector<1024x1xi32>,
      %convert_element_type3A_72 = arith.extui %gt3A_53 : vector<1024x1xi1> to vector<1024x1xi32>
      %swap3A_73 = arith.constant 0 : index
      %swap3A_74 = arith.constant 0 : index
      %swap3A_75 = vector.load %arg8[%swap3A_73, %swap3A_74] : memref<1024x1xi32, #tpu.memory_space<vmem>>, vector<1024x1xi32>
      tpu.vector_store %arg8[%swap3A_73, %swap3A_74], %convert_element_type3A_72 {strides = array<i32>} : memref<1024x1xi32, #tpu.memory_space<vmem>>, vector<1024x1xi32>,
    } else {
    }
    return
  }
  func.func @transform_0(%arg0: i32) -> (i32, i32) {
    %c0_i32 = arith.constant 0 : i32
    %c0_i32_0 = arith.constant 0 : i32
    %c0_i32_1 = arith.constant 0 : i32
    return %c0_i32, %c0_i32_0 : i32, i32
  }
  func.func @transform_1(%arg0: i32) -> (i32, i32) {
    %c0_i32 = arith.constant 0 : i32
    %c0_i32_0 = arith.constant 0 : i32
    return %arg0, %c0_i32 : i32, i32
  }
  func.func @transform_2(%arg0: i32) -> (i32, i32, i32) {
    %c0_i32 = arith.constant 0 : i32
    %c0_i32_0 = arith.constant 0 : i32
    %c0_i32_1 = arith.constant 0 : i32
    return %arg0, %c0_i32, %c0_i32_0 : i32, i32, i32
  }
  func.func @transform_3(%arg0: i32) -> (i32, i32) {
    %c0_i32 = arith.constant 0 : i32
    %c0_i32_0 = arith.constant 0 : i32
    %c0_i32_1 = arith.constant 0 : i32
    return %c0_i32, %c0_i32_0 : i32, i32
  }
  func.func @transform_4(%arg0: i32) -> (i32, i32) {
    %c0_i32 = arith.constant 0 : i32
    %c0_i32_0 = arith.constant 0 : i32
    %c0_i32_1 = arith.constant 0 : i32
    return %c0_i32, %c0_i32_0 : i32, i32
  }
  func.func @transform_5(%arg0: i32) -> (i32, i32) {
    %c0_i32 = arith.constant 0 : i32
    %c0_i32_0 = arith.constant 0 : i32
    %c0_i32_1 = arith.constant 0 : i32
    return %c0_i32, %c0_i32_0 : i32, i32
  }
  func.func @transform_6(%arg0: i32) -> (i32, i32) {
    %c0_i32 = arith.constant 0 : i32
    %c0_i32_0 = arith.constant 0 : i32
    %c0_i32_1 = arith.constant 0 : i32
    return %c0_i32, %c0_i32_0 : i32, i32
  }
  func.func @transform_7(%arg0: i32) -> (i32, i32) {
    %c0_i32 = arith.constant 0 : i32
    %c0_i32_0 = arith.constant 0 : i32
    %c0_i32_1 = arith.constant 0 : i32
    return %c0_i32, %c0_i32_0 : i32, i32
  }
}

module attributes {stable_mosaic.version = 14 : i64} {
  func.func @_k5_body(%arg0: memref<1024x128xf32, #tpu.memory_space<vmem>>, %arg1: memref<1024x128xf32, #tpu.memory_space<vmem>>, %arg2: memref<1024x1xi32, #tpu.memory_space<vmem>>, %arg3: memref<1024x1xi32, #tpu.memory_space<vmem>>, %arg4: memref<1024x1xf32, #tpu.memory_space<vmem>>, %arg5: memref<128x128xf32, #tpu.memory_space<vmem>>, %arg6: memref<1x128xf32, #tpu.memory_space<vmem>>, %arg7: memref<1024x128xf32, #tpu.memory_space<vmem>>) attributes {dimension_semantics = [], scalar_prefetch = 0 : i64, scratch_operands = 0 : i64, tpu.core_type = #tpu.core_type<tc>} {
    %iota3A = tpu.iota {dimensions = array<i32: 1>} : vector<1024x1024xi32>
    %get3A = arith.constant 0 : index
    %get3A_0 = arith.constant 0 : index
    %get3A_1 = vector.load %arg2[%get3A, %get3A_0] : memref<1024x1xi32, #tpu.memory_space<vmem>>, vector<1024x1xi32>
    %eq3A = vector.broadcast %get3A_1 : vector<1024x1xi32> to vector<1024x1024xi32>
    %eq3A_2 = arith.cmpi eq, %iota3A, %eq3A : vector<1024x1024xi32>
    %convert_element_type3A = arith.extui %eq3A_2 : vector<1024x1024xi1> to vector<1024x1024xi32>
    %convert_element_type3A_3 = arith.sitofp %convert_element_type3A : vector<1024x1024xi32> to vector<1024x1024xf32>
    %get3A_4 = arith.constant 0 : index
    %get3A_5 = arith.constant 0 : index
    %get3A_6 = vector.load %arg1[%get3A_4, %get3A_5] : memref<1024x128xf32, #tpu.memory_space<vmem>>, vector<1024x128xf32>
    %dot_general3A = arith.constant dense<0.000000e+00> : vector<1024x128xf32>
    %dot_general3A_7 = tpu.matmul %convert_element_type3A_3, %get3A_6, %dot_general3A {dimension_numbers = #tpu.dot_dimension_numbers<[1], [0], [0], [1], [0, 0, 1, 1], [], []>, transpose_lhs_hint = false} : vector<1024x1024xf32>, vector<1024x128xf32>, vector<1024x128xf32> -> vector<1024x128xf32>
    %get3A_8 = arith.constant 0 : index
    %get3A_9 = arith.constant 0 : index
    %get3A_10 = vector.load %arg3[%get3A_8, %get3A_9] : memref<1024x1xi32, #tpu.memory_space<vmem>>, vector<1024x1xi32>
    %ne3A = arith.constant 0 : i32
    %ne3A_11 = vector.broadcast %ne3A : i32 to vector<1024x1xi32>
    %ne3A_12 = arith.cmpi ne, %get3A_10, %ne3A_11 : vector<1024x1xi32>
    %get3A_13 = arith.constant 0 : index
    %get3A_14 = arith.constant 0 : index
    %get3A_15 = vector.load %arg0[%get3A_13, %get3A_14] : memref<1024x128xf32, #tpu.memory_space<vmem>>, vector<1024x128xf32>
    %broadcast_in_dim3A = vector.shape_cast %ne3A_12 : vector<1024x1xi1> to vector<1024x1xi1>
    %broadcast_in_dim3A_16 = vector.broadcast %broadcast_in_dim3A : vector<1024x1xi1> to vector<1024x128xi1>
    %select_n3A = arith.select %broadcast_in_dim3A_16, %dot_general3A_7, %get3A_15 : vector<1024x128xi1>, vector<1024x128xf32>
    %get3A_17 = arith.constant 0 : index
    %get3A_18 = arith.constant 0 : index
    %get3A_19 = vector.load %arg5[%get3A_17, %get3A_18] : memref<128x128xf32, #tpu.memory_space<vmem>>, vector<128x128xf32>
    %dot_general3A_20 = arith.constant dense<0.000000e+00> : vector<1024x128xf32>
    %dot_general3A_21 = tpu.matmul %select_n3A, %get3A_19, %dot_general3A_20 {dimension_numbers = #tpu.dot_dimension_numbers<[1], [0], [0], [1], [0, 0, 1, 1], [], []>, transpose_lhs_hint = false} : vector<1024x128xf32>, vector<128x128xf32>, vector<1024x128xf32> -> vector<1024x128xf32>
    %get3A_22 = arith.constant 0 : index
    %get3A_23 = arith.constant 0 : index
    %get3A_24 = vector.load %arg6[%get3A_22, %get3A_23] : memref<1x128xf32, #tpu.memory_space<vmem>>, vector<1x128xf32>
    %add3A = vector.broadcast %get3A_24 : vector<1x128xf32> to vector<1024x128xf32>
    %add3A_25 = arith.addf %dot_general3A_21, %add3A : vector<1024x128xf32>
    %get3A_26 = arith.constant 0 : index
    %get3A_27 = arith.constant 0 : index
    %get3A_28 = vector.load %arg4[%get3A_26, %get3A_27] : memref<1024x1xf32, #tpu.memory_space<vmem>>, vector<1024x1xf32>
    %gt3A = arith.constant 6.500000e-01 : f32
    %gt3A_29 = vector.broadcast %gt3A : f32 to vector<1024x1xf32>
    %gt3A_30 = arith.cmpf ogt, %get3A_28, %gt3A_29 : vector<1024x1xf32>
    %convert_element_type3A_31 = arith.extui %gt3A_30 : vector<1024x1xi1> to vector<1024x1xi32>
    %convert_element_type3A_32 = arith.sitofp %convert_element_type3A_31 : vector<1024x1xi32> to vector<1024x1xf32>
    %mul3A = vector.broadcast %convert_element_type3A_32 : vector<1024x1xf32> to vector<1024x128xf32>
    %mul3A_33 = arith.mulf %add3A_25, %mul3A : vector<1024x128xf32>
    %swap3A = arith.constant 0 : index
    %swap3A_34 = arith.constant 0 : index
    %swap3A_35 = vector.load %arg7[%swap3A, %swap3A_34] : memref<1024x128xf32, #tpu.memory_space<vmem>>, vector<1024x128xf32>
    tpu.vector_store %arg7[%swap3A, %swap3A_34], %mul3A_33 {strides = array<i32>} : memref<1024x128xf32, #tpu.memory_space<vmem>>, vector<1024x128xf32>,
    return
  }
}

</mosaic_0001>

<sc_bundles>
// kernel: kernel.7.cloned.1.call-start
scs
__scs_entry_jumppad:
0x0: {  	(pc) =	sbr.rel $0x88, $3  }
0x1: {  	(tag) =	ssettag $0x0;
	lr =	simm.s32 $0x1  }
0x2: {  	[smem:$0x3F99] =	sst lr;
	_ =	strace $0xD0000000  }
0x3: {  	_ = 	snop  }
0x4: {  	_ = 	snop  }
0x5: {  	_ = 	snop  }
0x6: {  	_ = 	snop  }
0x7: {  	_ = 	snop  }
__scs_overlays_trampoline_lowered:
0x8: {  	[smem:$0x3FA8] =	sst s0  }
0x9: {  	[smem:$0x3FA9] =	sst s1  }
0xa: {  	[smem:$0x3FAA] =	sst s2  }
0xb: {  	[smem:$0x3FAB] =	sst s3  }
0xc: {  	[smem:$0x3FAC] =	sst s4  }
0xd: {  	[smem:$0x3FAD] =	sst s5  }
0xe: {  	[smem:$0x3FAE] =	sst s6  }
0xf: {  	[smem:$0x3FAF] =	sst s7  }
0x10: {  	[smem:$0x3FB0] =	sst s8  }
0x11: {  	[smem:$0x3FB1] =	sst s9;
	s0 =	simm.s32 @!p0 $0x0  }
0x12: {  	s1 =	sld [smem:$0x3F97];
	s0 =	simm.s32 @p0 $0x1  }
0x13: {  	[smem:$0x3FB2] =	sst s0;
	s0 =	simm.s32 @!p1 $0x0  }
0x14: {  	s2 =	sld [smem:$0x3F96];
	s0 =	simm.s32 @p1 $0x1  }
0x15: {  	[smem:$0x3FB3] =	sst s0;
	s0 =	simm.s32 @!p2 $0x0  }
0x16: {  	s3 =	sld [smem:$0x3FDB];
	s0 =	simm.s32 @p2 $0x1  }
0x17: {  	s4 =	simm.s32 $0x1BF5;
	[smem:$0x3FB5] =	sst s0  }
0x18: {  	s0 =	sld [smem:$0x3F98];
	_ =	swait.ge [sflag:s4], $0x0  }
0x19: {  	s7 =	sld [smem:$0x3F99]  }
0x1a: {  	s8 =	sadd.s32 $0xFFFFE003, lr  }
0x1b: {  	s9 =	sadd.s32 $0xFFFFFEF7, lr;
	s5 =	simm.s32 $0xFFFFFFFF;
	p2 =	slt.u32 s8, $0xFFFFF086  }
0x1c: {  	p1 =	slt.u32 s9, $0xF7A;
	s5 =	simm.s32 @!p2 $0x0  }
0x1d: {  	s5 =	simm.s32 @p1 $0x1;
	p0 =	seq.s32 s7, s2  }
0x1e: {  	s7 =	smul.u32 @!p0 $0xF7A, s2;
	p2 =	seq.s32 @!p0 s5, $0x0  }
0x1f: {  	s9 =	smul.u32 $0xF7A, s1;
	s8 =	simm.s32 @!p0 $0x1BF5;
	p2 =	por !p2, p0  }
0x20: {  	[sflag:s8] =	ssyncset.s32 @!p0 $0xFFFFF086;
	s6 =	sadd.s32 @!p0 s3, s7;
	s7 =	simm.s32 @!p0 $0x108  }
0x21: {  	s3 =	sadd.s32 s3, s9;
	s6 =	sadd.s32 @!p0 $0x88, s6;
	s7 =	simm.s32 @p2 $0x1082  }
0x22: {  	[simem:s7], [sflag:s8] =	dma.local @!p0 [hbm:s6], $0xF7A  }
0x23: {  	s9 =	sor.u32 $0xD0000000, s2;
	s6 =	simm.s32 $0x108;
	_ =	swait.ge @!p0 [sflag:s8], $0x0  }
0x24: {  	s3 =	sadd.s32 $0x88, s3;
	s6 =	simm.s32 @!p1 $0x1082;
	[sflag:s4] =	ssyncset.s32 $0xFFFFF086  }
0x25: {  	[simem:s6], [sflag:s4] =	dma.local [hbm:s3], $0xF7A  }
0x26: {  	[smem:$0x3F99] =	sst s1;
	(tag) =	ssettag s2;
	_ =	strace s9  }
0x27: {  	s1 =	sld [smem:$0x3FA9]  }
0x28: {  	s2 =	sld [smem:$0x3FAA]  }
0x29: {  	s4 =	sld [smem:$0x3FAC]  }
0x2a: {  	p0 =	seq.s32 s5, $0x0;
	s5 =	sld [smem:$0x3FAD]  }
0x2b: {  	s6 =	sld [smem:$0x3FAE]  }
0x2c: {  	s7 =	sld [smem:$0x3FAF]  }
0x2d: {  	s3 =	simm.s32 $0x108;
	s8 =	sld [smem:$0x3FB0]  }
0x2e: {  	s3 =	simm.s32 @!p0 $0x1082;
	s9 =	sld [smem:$0x3FB1]  }
0x2f: {  	lr =	sadd.s32 s0, s3;
	s0 =	sld [smem:$0x3FA8]  }
0x30: {  	s3 =	sld [smem:$0x3FAB]  }
0x31: {  	[smem:$0x3FB4] =	sst s10  }
0x32: {  	s10 =	sld [smem:$0x3FB2];
	_ =	sdelay $0x3  }
0x33: {  	p0 =	seq.s32 s10, $0x1;
	s10 =	sld [smem:$0x3FB4];
	_ =	sdelay $0x3  }
0x34: {  	[smem:$0x3FB4] =	sst s10  }
0x35: {  	s10 =	sld [smem:$0x3FB3];
	_ =	sdelay $0x3  }
0x36: {  	p1 =	seq.s32 s10, $0x1;
	s10 =	sld [smem:$0x3FB4];
	_ =	sdelay $0x3  }
0x37: {  	[smem:$0x3FB4] =	sst s10  }
0x38: {  	s10 =	sld [smem:$0x3FB5]  }
0x39: {  	_ = 	snop;
	(pc) =	sbr.ind lr, $3  }
0x3a: {  	_ = 	snop  }
0x3b: {  	_ = 	snop  }
0x3c: {  	p2 =	seq.s32 s10, $0x1;
	s10 =	sld [smem:$0x3FB4]  }
0x3d: {  	_ =	shalt  }
0x3e: {  	_ =	shalt  }
0x3f: {  	_ =	shalt  }
0x40: {  	_ =	shalt  }
0x41: {  	_ =	shalt  }
0x42: {  	_ =	shalt  }
0x43: {  	_ =	shalt  }
0x44: {  	_ =	shalt  }
0x45: {  	_ =	shalt  }
0x46: {  	_ =	shalt  }
0x47: {  	_ =	shalt  }
0x48: {  	_ =	shalt  }
0x49: {  	_ =	shalt  }
0x4a: {  	_ =	shalt  }
0x4b: {  	_ =	shalt  }
0x4c: {  	_ =	shalt  }
0x4d: {  	_ =	shalt  }
0x4e: {  	_ =	shalt  }
0x4f: {  	_ =	shalt  }
0x50: {  	_ =	shalt  }
0x51: {  	_ =	shalt  }
0x52: {  	_ =	shalt  }
0x53: {  	_ =	shalt  }
0x54: {  	_ =	shalt  }
0x55: {  	_ =	shalt  }
0x56: {  	_ =	shalt  }
0x57: {  	_ =	shalt  }
0x58: {  	_ =	shalt  }
0x59: {  	_ =	shalt  }
0x5a: {  	_ =	shalt  }
0x5b: {  	_ =	shalt  }
0x5c: {  	_ =	shalt  }
0x5d: {  	_ =	shalt  }
0x5e: {  	_ =	shalt  }
0x5f: {  	_ =	shalt  }
0x60: {  	_ =	shalt  }
0x61: {  	_ =	shalt  }
0x62: {  	_ =	shalt  }
0x63: {  	_ =	shalt  }
0x64: {  	_ =	shalt  }
0x65: {  	_ =	shalt  }
0x66: {  	_ =	shalt  }
0x67: {  	_ =	shalt  }
0x68: {  	_ =	shalt  }
0x69: {  	_ =	shalt  }
0x6a: {  	_ =	shalt  }
0x6b: {  	_ =	shalt  }
0x6c: {  	_ =	shalt  }
0x6d: {  	_ =	shalt  }
0x6e: {  	_ =	shalt  }
0x6f: {  	_ =	shalt  }
0x70: {  	_ =	shalt  }
0x71: {  	_ =	shalt  }
0x72: {  	_ =	shalt  }
0x73: {  	_ =	shalt  }
0x74: {  	_ =	shalt  }
0x75: {  	_ =	shalt  }
0x76: {  	_ =	shalt  }
0x77: {  	_ =	shalt  }
0x78: {  	_ =	shalt  }
0x79: {  	_ =	shalt  }
0x7a: {  	_ =	shalt  }
0x7b: {  	_ =	shalt  }
0x7c: {  	_ =	shalt  }
0x7d: {  	_ =	shalt  }
0x7e: {  	_ =	shalt  }
0x7f: {  	_ =	shalt  }
0x80: {  	_ =	shalt  }
0x81: {  	_ =	shalt  }
0x82: {  	_ =	shalt  }
0x83: {  	_ =	shalt  }
0x84: {  	_ =	shalt  }
0x85: {  	_ =	shalt  }
0x86: {  	_ =	shalt  }
0x87: {  	_ =	shalt  }
.Lfunc_end0:
.L_simem_size_0:
called_computation_lowered:
.L_overlay_start_0:
0x88: {  	s2 =	sld [smem:$0x3FD9]  }
0x89: {  	s3 =	sld [smem:$0x3FFE];
	_ =	sdelay $0x1  }
0x8a: {  	s1 =	srdreg.scid  }
0x8b: {  	s0 =	sand.u32 $0x1, s1  }
0x8c: {  	s17 =	sshll.u32 s0, $0xA;
	s2 =	sadd.s32 s3, s2  }
0x8d: {  	s2 =	sadd.s32 s2, s17  }
0x8e: {  	[smem:$0x3FC0] =	sst s2  }
0x8f: {  	_ = 	snop  }
0x90: {  	s2 =	sld [smem:$0x3FC9]  }
0x91: {  	s18 =	sld [smem:$0x3FD0];
	(tm) =	ssettm $0x1  }
0x92: {  	s4 =	sld [smem:$0x3FFB];
	_ =	sdelay $0x3  }
0x93: {  	_ =	strace s4  }
0x94: {  	s4 =	sld [smem:$0x3FFC];
	_ =	sdelay $0x3  }
0x95: {  	_ =	strace s4  }
0x96: {  	s4 =	sld [smem:$0x3FFD];
	_ =	sdelay $0x3  }
0x97: {  	_ =	strace s4  }
0x98: {  	_ =	strace $0x8FFFFFFF  }
0x99: {  	s19 =	sld [smem:$0x3FDB];
	_ =	sdelay $0x1  }
0x9a: {  	s5 =	simm.s32 $_scs_section_size  }
0x9b: {  	s6 =	simm.s32 $_size__tile_overlayer_lowered;
	s7 =	simm.s32 $_tile_overlayer_lowered  }
0x9c: {  	s22 =	simm.s32 $0x1BFF;
	s21 =	sshll.u32 s7, $0x1;
	s4 =	sadd.s32 s5, s19  }
0x9d: {  	s8 =	simm.s32 $0x0;
	s20 =	sshll.u32 s6, $0x1;
	s6 =	sadd.s32 s21, s4  }
0x9e: {  	[timem:s8], [sflag:s22] =	dma.local [hbm:s6], s20  }
0x9f: {  	_ =	swait.ge [sflag:s22], s20  }
0xa0: {  	s5 =	ssub.s32 $0x0, s20;
	[sflag:s22] =	ssyncset.done $0x0  }
0xa1: {  	[sflag:s22] =	ssyncadd.s32 s5;
	_ =	sdelay $0x1  }
0xa2: {  	s23 =	simm.s32 $0x1B8B  }
0xa3: {  	_ =	swait.ge [sflag:s23], $0x1  }
0xa4: {  	[sflag:s23] =	ssyncset.done $0x0  }
0xa5: {  	s25 =	simm.s32 $0x1B8E;
	s24 =	sld [smem:$0x3FFE];
	[sflag:s23] =	ssyncadd.s32 $0xFFFFFFFF  }
0xa6: {  	s26 =	simm.s32 $execute0_lowered;
	[smem:$0x3FD2] =	sst s25  }
0xa7: {  	s6 =	sshll.u32 s26, $0x1;
	_ =	strace $0x80000046;
	[dreg:$0x1] =	wrdreg $0xFFFFFFFF  }
0xa8: {  	s28 =	simm.s32 $_size_execute0_lowered;
	s4 =	sadd.s32 s4, s6;
	[dreg:$0x0] =	wrdreg $0x0  }
0xa9: {  	s6 =	sshll.u32 s28, $0x1;
	[dreg:$0x2] =	wrdreg s4  }
0xaa: {  	[dreg:$0x3] =	wrdreg s6  }
0xab: {  	[dreg:$0x4] =	wrdreg $0xC0  }
0xac: {  	_ =	task [dreg:s8], $0x5FFFF  }
0xad: {  	[dreg:$0x1] =	wrdreg $0xFFFFFFFF  }
0xae: {  	[dreg:$0x0] =	wrdreg $0x60  }
0xaf: {  	[dreg:$0x2] =	wrdreg s24  }
0xb0: {  	[dreg:$0x3] =	wrdreg s2  }
0xb1: {  	[dreg:$0x4] =	wrdreg s18  }
0xb2: {  	[dreg:$0x5] =	wrdreg $0x9  }
0xb3: {  	_ =	task.clear_ibuf [dreg:s8], $0x6FFFF;
	_ =	strace $0x90000046  }
0xb4: {  	s29 =	simm.s32 $0x9;
	_ =	strace $0x80000048  }
0xb5: {  	_ =	swait.ge [sflag:s29], $0x1  }
0xb6: {  	[sflag:s29] =	ssyncadd.s32 $0xFFFFFFFF  }
0xb7: {  	_ =	strace $0x90000048  }
0xb8: {  	_ =	sfence  }
0xb9: {  	s30 =	sld [smem:$0x0];
	_ =	sdelay $0x2  }
0xba: {  	s31 =	sshll.u32 s1, $0xD;
	s1 =	sshrl.u32 s1, $0x2  }
0xbb: {  	s3 =	sand.u32 $0x4000, s31;
	s1 =	sadd.s32 s1, s30  }
0xbc: {  	s0 =	sor.u32 s3, s0;
	s1 =	sshll.u32 s1, $0x11  }
0xbd: {  	s0 =	sor.u32 s1, s0  }
0xbe: {  	s0 =	sadd.s32 $0x8F2B, s0  }
0xbf: {  	[sflag:s0] =	ssyncadd.remote.s32 $0x1  }
0xc0: {  	_ =	sfence.sel $0xFFFF  }
0xc1: {  	[dreg:$0x0] =	wrdreg $0xFFFFFFFF;
	(pc) =	sbr.abs _section_cstart, $3  }
0xc2: {  	[dreg:$0x1] =	wrdreg $0xFFFFFFFF  }
0xc3: {  	_ =	task.clear_ibuf [dreg:s8], $0x2FFFF;
	_ =	strace $0x9FFFFFFF  }
0xc4: {  	(tm) =	ssettm $0x7FFFFFFF  }
0xc5: {  	_ =	shalt  }
tec
execute0_lowered:
.L_overlay_start_1:
0x0: {  	(tag) =	ssettag $0x1  }
0x1: {  	s1 =	srdreg.scid  }
0x2: {  	s4 =	rddreg [dreg:$0x0];
	s0 =	stileid.u32;
	s6 =	sand.u32 $0x1, s1  }
0x3: {  	s2 =	rddreg [dreg:$0x1];
	s30 =	sshll.u32 s0, $0x6;
	s3 =	sshll.u32 s6, $0x5  }
0x4: {  	s9 =	rddreg [dreg:$0x2];
	s10 =	sor.u32 s3, s30  }
0x5: {  	s1 =	rddreg [dreg:$0x3];
	s3 =	simm.s32 $0x0;
	s5 =	sshrl.u32 s10, $0x3  }
0x6: {  	s11 =	ssub.s32 $0x2, s6;
	[smem:$0x7FF] =	sst s3;
	s4 =	sadd.s32 s5, s4  }
0x7: {  	_ =	strace $0x80000047;
	s5 =	sadd.s32 $0x1600, s4;
	s4 =	simm.s32 $0x2  }
0x8: {  	[tilespmem:s3], [sflag:$0x2] =	stream.linear.gather [hbm4b:s5+s3], $0x20, $0x38;
	[tilespmem:$0x1080] =	vst v63  }
0x9: {  	s7 =	simm.s32 $0x80;
	s12 =	sshrl.u32 s11, $0x1;
	_ =	swait.ge [sflag:s4], $0x20  }
0xa: {  	s8 =	simm.s32 $0x1;
	s11 =	ssub.s32 s11, s12;
	[sflag:s4] =	ssyncset.done $0x0  }
0xb: {  	s6 =	simm.s32 $0x20;
	s31 =	smax.u32 s11, $0x1;
	[sflag:s4] =	ssyncadd.s32 $0xFFFFFFE0  }
0xc: {  	[tilespmem:s7], [sflag:$0x1] =	stream.indirect.gather [hbm4b:s2+s6], $0x80, s3, s6, $0xb8;
	[tilespmem:$0x1080] =	vst v63  }
0xd: {  	p0 =	sne.s32 s31, $0x1;
	_ =	swait.ge [sflag:s8], $0x1000  }
.Ltmp0:
0xe: {  	s10 =	sshll.u32 s10, $0x4;
	[sflag:s8] =	ssyncset.done $0x0;
	(pc) =	sbr.rel @!p0 .LBB2_2-.Ltmp0, $4  }
0xf: {  	s9 =	sadd.s32 s9, s10;
	[sflag:s8] =	ssyncadd.s32 $0xFFFFF000  }
0x10: {  	[hbm4b:s9+s3] =	stream.linear.scatter [tilespmem:s7], [sflag:$0x2], $0x1000, $0x38;
	[tilespmem:$0x1080] =	vst v63  }
0x11: {  	_ =	swait.ge [sflag:s4], $0x1000  }
0x12: {  	s10 =	sadd.s32 $0xFFFFFFFF, s31;
	[sflag:s4] =	ssyncset.done $0x0  }
.LBB2_1:
0x13: {  	p0 =	sne.s32 s10, $0x1;
	s10 =	sadd.s32 $0xFFFFFFFF, s10;
	[sflag:s4] =	ssyncadd.s32 $0xFFFFF000  }
0x14: {  	[tilespmem:s3], [sflag:$0x2] =	stream.linear.gather [hbm4b:s5+s3], $0x20, $0x38;
	[tilespmem:$0x1080] =	vst v63  }
0x15: {  	_ =	swait.ge [sflag:s4], $0x20  }
0x16: {  	[sflag:s4] =	ssyncset.done $0x0  }
0x17: {  	[sflag:s4] =	ssyncadd.s32 $0xFFFFFFE0  }
0x18: {  	[tilespmem:s7], [sflag:$0x1] =	stream.indirect.gather [hbm4b:s2+s6], $0x80, s3, s6, $0xb8;
	[tilespmem:$0x1080] =	vst v63  }
0x19: {  	_ =	swait.ge [sflag:s8], $0x1000  }
.Ltmp1:
0x1a: {  	[sflag:s8] =	ssyncset.done $0x0;
	(pc) =	sbr.rel @p0 .LBB2_1-.Ltmp1, $4  }
0x1b: {  	[sflag:s8] =	ssyncadd.s32 $0xFFFFF000  }
0x1c: {  	[hbm4b:s9+s3] =	stream.linear.scatter [tilespmem:s7], [sflag:$0x2], $0x1000, $0x38;
	[tilespmem:$0x1080] =	vst v63  }
0x1d: {  	_ =	swait.ge [sflag:s4], $0x1000  }
0x1e: {  	[sflag:s4] =	ssyncset.done $0x0  }
.LBB2_2:
0x1f: {  	[sflag:s4] =	ssyncadd.s32 $0xFFFFF000  }
0x20: {  	_ =	sfence.sel $0x180000  }
0x21: {  	[bflag:$0x0] =	sbarrier.arrive $0xFFFF  }
0x22: {  	p0 =	sne.s32 s0, $0x0;
	_ =	strace $0x90000047  }
0x23: {  	s0 =	sadd.s32 @!p0 $0x100000, s1;
	[bflag:$0x2] =	sbarrier.arrive $0xFFFF  }
0x24: {  	[sflag:s0] =	ssyncadd.tile.s32 @!p0 $0x1;
	_ =	shalt  }
.Lfunc_end2:
_tile_overlayer_lowered:
.L_overlay_start_2:
0x25: {  	(tag) =	ssettag $0x2  }
0x26: {  	s0 =	rddreg [dreg:$0x0];
	s2 =	stileid.u32  }
0x27: {  	s1 =	rddreg [dreg:$0x1];
	p0 =	sne.s32 s2, $0x0  }
0x28: {  	s3 =	rddreg [dreg:$0x2];
	[bflag:$0x3] =	sbarrier.arrive $0xFFFF;
	s2 =	simm.s32 @!p0 $0x1C02  }
0x29: {  	[timem:s3], [sflag:s2] =	dma.local @!p0 [hbm:s0], s1  }
0x2a: {  	s0 =	simm.s32 @!p0 $0x2  }
0x2b: {  	_ =	swait.ge @!p0 [sflag:s0], s1  }
0x2c: {  	s1 =	ssub.s32 @!p0 $0x0, s1;
	[sflag:s0] =	ssyncset.done @!p0 $0x0  }
0x2d: {  	[sflag:s0] =	ssyncadd.s32 @!p0 s1  }
0x2e: {  	[bflag:$0x3] =	sbarrier.arrive $0xFFFF  }
0x2f: {  	_ =	shalt  }

</sc_bundles>
